<compile_context>
chip_gen: v7x
topology: tpu7x:2x2x1
jax: 0.10.2.dev20260603
libtpu: 0.0.44.dev20260713+nightly
codegen_flags: <defaults>
</compile_context>

<pallas_src>
import functools

import jax
import jax.numpy as jnp
from jax import lax
from jax.experimental import pallas as pl
from jax.experimental.pallas import tpu as pltpu
from jax.experimental.pallas import tpu_sc as plsc

N = 100000
C = 5
LANES = 16
NW = 32
CHUNK = 3200
GROUPS = CHUNK // LANES
SC_END = (N // 128) * 128
LAST_BASE = SC_END - CHUNK
LAST_G0 = ((NW - 1) * CHUNK - LAST_BASE) // LANES

TAIL_BLK = 512
TAIL_IDX = N // TAIL_BLK
TAIL_LO = SC_END - TAIL_IDX * TAIL_BLK
TAIL_HI = N - TAIL_IDX * TAIL_BLK


def _sc_partials(logits_t, targets):
    mesh = plsc.VectorSubcoreMesh(core_axis_name="c", subcore_axis_name="s")

    @functools.partial(
        pl.kernel,
        out_type=jax.ShapeDtypeStruct((NW, C, LANES), jnp.float32),
        mesh=mesh,
        scratch_types=[
            pltpu.VMEM((C, CHUNK), jnp.float32),
            pltpu.VMEM((CHUNK,), jnp.int32),
            pltpu.VMEM((C, LANES), jnp.float32),
            pltpu.SemaphoreType.DMA,
            pltpu.SemaphoreType.DMA,
        ],
    )
    def sc_kernel(lg_hbm, tg_hbm, out_hbm, lg_v, tg_v, part_v, sem_l, sem_t):
        wid = lax.axis_index("c") * 16 + lax.axis_index("s")
        is_last = wid == NW - 1
        base = jnp.where(is_last, LAST_BASE, wid * CHUNK)
        g0 = jnp.where(is_last, LAST_G0, 0)
        cp_l = pltpu.async_copy(lg_hbm.at[:, pl.ds(base, CHUNK)], lg_v, sem_l)
        cp_t = pltpu.async_copy(tg_hbm.at[pl.ds(base, CHUNK)], tg_v, sem_t)
        cp_l.wait()
        cp_t.wait()

        zeros = jnp.zeros((LANES,), jnp.float32)

        @plsc.parallel_loop(g0, GROUPS, 1, unroll=1, carry=(zeros,) * 5)
        def acc(g, acc_in):
            s_t, s_p, s_tt, s_pp, s_tp = acc_in
            vs = [lg_v[c, pl.ds(g * LANES, LANES)] for c in range(C)]
            m = vs[0]
            for c in range(1, C):
                m = jnp.maximum(m, vs[c])
            p = zeros
            for c in range(C - 1, -1, -1):
                p = jnp.where(vs[c] == m, jnp.float32(c), p)
            t = tg_v[pl.ds(g * LANES, LANES)].astype(jnp.float32)
            return (s_t + t, s_p + p, s_tt + t * t, s_pp + p * p,
                    s_tp + t * p)

        for i in range(C):
            part_v[i] = acc[i]
        pltpu.sync_copy(part_v, out_hbm.at[wid])

    return sc_kernel(logits_t, targets)


def _qwk_epilogue(parts, logits_t, targets):
    def tc_body(p_ref, lt_ref, tg_ref, o_ref):
        x = p_ref[...]
        s_t = jnp.sum(x[:, 0, :])
        s_p = jnp.sum(x[:, 1, :])
        s_tt = jnp.sum(x[:, 2, :])
        s_pp = jnp.sum(x[:, 3, :])
        s_tp = jnp.sum(x[:, 4, :])

        blk = lt_ref[...]
        col = lax.broadcasted_iota(jnp.int32, (1, TAIL_BLK), 1)
        valid = (col >= TAIL_LO) & (col < TAIL_HI)
        m = blk[0:1, :]
        p = jnp.zeros((1, TAIL_BLK), jnp.float32)
        for c in range(1, C):
            vc = blk[c:c + 1, :]
            gt = vc > m
            m = jnp.where(gt, vc, m)
            p = jnp.where(gt, jnp.float32(c), p)
        t = jnp.where(valid, tg_ref[...].reshape(1, TAIL_BLK), 0)
        t = t.astype(jnp.float32)
        p = jnp.where(valid, p, 0.0)
        s_t = s_t + jnp.sum(t)
        s_p = s_p + jnp.sum(p)
        s_tt = s_tt + jnp.sum(t * t)
        s_pp = s_pp + jnp.sum(p * p)
        s_tp = s_tp + jnp.sum(t * p)

        total = jnp.float32(N)
        wnorm = jnp.float32((C - 1) ** 2)
        num = (s_tt - 2.0 * s_tp + s_pp) / wnorm
        den = (total * s_tt - 2.0 * s_t * s_p + total * s_pp) / (wnorm * total)
        o_ref[0, 0] = num / (den + jnp.float32(1e-6))

    out = pl.pallas_call(
        tc_body,
        out_shape=jax.ShapeDtypeStruct((1, 1), jnp.float32),
        grid=(1,),
        in_specs=[
            pl.BlockSpec((NW, C, LANES), lambda i: (0, 0, 0)),
            pl.BlockSpec((C, TAIL_BLK), lambda i: (0, TAIL_IDX)),
            pl.BlockSpec((TAIL_BLK,), lambda i: (TAIL_IDX,)),
        ],
        out_specs=pl.BlockSpec((1, 1), lambda i: (0, 0),
                               memory_space=pltpu.SMEM),
    )(parts, logits_t, targets)
    return out[0, 0]


def kernel(logits, targets):
    logits_t = logits.T
    parts = _sc_partials(logits_t, targets)
    return _qwk_epilogue(parts, logits_t, targets)

# --- scband reference (transcript-rebuilt; emitter-appended) ---
"""Pipeline reference for scband-qwkloss-78443282694922 (READ-ONLY COPY).

The authoritative reference and input builder live on the scoring server;
editing this copy changes nothing except your own understanding.
"""

import jax, jax.numpy as jnp
import numpy as np

NUM_CLASSES = 5


def setup_inputs(seed: int = 0) -> dict:
    key = jax.random.key(seed)
    k1, k2 = jax.random.split(key)
    logits = jax.random.normal(k1, (100000, NUM_CLASSES), dtype=jnp.float32)
    targets = jax.random.randint(k2, (100000,), 0, NUM_CLASSES, dtype=jnp.int32)
    return {"logits": logits, "targets": targets}


def reference(logits, targets):
    C = NUM_CLASSES
    # preds = argmax over class dim
    preds = jnp.argmax(logits, axis=1)
    # 2D confusion histogram via flat scatter-add (maps to SparseCore scatter)
    flat_idx = targets.astype(jnp.int32) * C + preds.astype(jnp.int32)
    hist2d = jnp.zeros((C * C,), dtype=jnp.float32).at[flat_idx].add(1.0).reshape(C, C)
    # quadratic weights w[i,j] = (i-j)^2 / (C-1)^2
    ii = jnp.arange(C, dtype=jnp.float32)
    weights = (ii[:, None] - ii[None, :]) ** 2 / float((C - 1) ** 2)
    actual_hist = hist2d.sum(axis=1)
    pred_hist = hist2d.sum(axis=0)
    E = jnp.outer(actual_hist, pred_hist) / hist2d.sum()
    O = hist2d
    num = (weights * O).sum()
    den = (weights * E).sum()
    qwk = 1.0 - num / (den + 1e-06)
    return 1.0 - qwk

if __name__ == "__main__":
    import jax
    _d = setup_inputs()
    print(jax.jit(kernel)(*tuple(_d.values())))

</pallas_src>

<mosaic_0001>
#map = affine_map<(d0, d1) -> (0, 0)>
#map1 = affine_map<(d0, d1) -> (0)>
#map2 = affine_map<(d0, d1) -> (0, 0, 0)>
module attributes {stable_mosaic.version = 14 : i64} {
  func.func @sc_kernel(%arg0: i32, %arg1: i32, %arg2: memref<5x100000xf32, #tpu.memory_space<hbm>>, %arg3: memref<100000xi32, #tpu.memory_space<hbm>>, %arg4: memref<32x5x16xf32, #tpu.memory_space<hbm>>, %arg5: memref<5x3200xf32, #tpu.memory_space<vmem>>, %arg6: memref<3200xi32, #tpu.memory_space<vmem>>, %arg7: memref<5x16xf32, #tpu.memory_space<vmem>>, %arg8: memref<!tpu.dma_semaphore, #tpu.memory_space<semaphore_mem>>, %arg9: memref<!tpu.dma_semaphore, #tpu.memory_space<semaphore_mem>>) attributes {dimension_semantics = [#tpu.dimension_semantics<core_parallel>, #tpu.dimension_semantics<subcore_parallel>], iteration_bounds = array<i64: 2, 16>, scalar_prefetch = 0 : i64, scratch_operands = 5 : i64, tpu.core_type = #tpu.core_type<sc_vector_subcore>, window_params = [{transform_indices = #map}, {transform_indices = #map1}, {transform_indices = #map2}]} {
    %mul3A = arith.constant 16 : i32
    %mul3A_0 = arith.muli %arg0, %mul3A : i32
    %add3A = arith.addi %mul3A_0, %arg1 : i32
    %eq3A = arith.constant 31 : i32
    %eq3A_1 = arith.cmpi eq, %add3A, %eq3A : i32
    %mul3A_2 = arith.constant 3200 : i32
    %mul3A_3 = arith.muli %add3A, %mul3A_2 : i32
    %jit3A = arith.constant 96768 : i32
    %select_n3A = arith.select %eq3A_1, %jit3A, %mul3A_3 : i32
    %jit3A_4 = arith.constant 152 : i32
    %jit3A_5 = arith.constant 0 : i32
    %select_n3A_6 = arith.select %eq3A_1, %jit3A_4, %jit3A_5 : i32
    %dma_start3A = arith.constant 0 : i32
    %dma_start3A_7 = tpu.memref_slice %arg2[%dma_start3A, %select_n3A] : memref<5x100000xf32, #tpu.memory_space<hbm>> -> memref<5x3200xf32, #tpu.memory_space<hbm>>
    %dma_start3A_8 = arith.constant 0 : i32
    %dma_start3A_9 = tpu.memref_slice %arg2[%dma_start3A_8, %select_n3A] : memref<5x100000xf32, #tpu.memory_space<hbm>> -> memref<5x3200xf32, #tpu.memory_space<hbm>>
    tpu.enqueue_dma source(%dma_start3A_9 : memref<5x3200xf32, #tpu.memory_space<hbm>>) target(%arg5 : memref<5x3200xf32, #tpu.memory_space<vmem>>) target_semaphore(%arg8 : memref<!tpu.dma_semaphore, #tpu.memory_space<semaphore_mem>>)
    %dma_start3A_10 = tpu.memref_slice %arg3[%select_n3A] : memref<100000xi32, #tpu.memory_space<hbm>> -> memref<3200xi32, #tpu.memory_space<hbm>>
    %dma_start3A_11 = tpu.memref_slice %arg3[%select_n3A] : memref<100000xi32, #tpu.memory_space<hbm>> -> memref<3200xi32, #tpu.memory_space<hbm>>
    tpu.enqueue_dma source(%dma_start3A_11 : memref<3200xi32, #tpu.memory_space<hbm>>) target(%arg6 : memref<3200xi32, #tpu.memory_space<vmem>>) target_semaphore(%arg9 : memref<!tpu.dma_semaphore, #tpu.memory_space<semaphore_mem>>)
    %dma_wait3A = arith.constant 0 : i32
    %dma_wait3A_12 = tpu.memref_slice %arg2[%dma_wait3A, %select_n3A] : memref<5x100000xf32, #tpu.memory_space<hbm>> -> memref<5x3200xf32, #tpu.memory_space<hbm>>
    %dma_wait3A_13 = arith.constant 0 : i32
    %dma_wait3A_14 = tpu.memref_slice %arg2[%dma_wait3A_13, %select_n3A] : memref<5x100000xf32, #tpu.memory_space<hbm>> -> memref<5x3200xf32, #tpu.memory_space<hbm>>
    tpu.wait_dma2 semaphore(%arg8 : memref<!tpu.dma_semaphore, #tpu.memory_space<semaphore_mem>>) src(%dma_wait3A_14 : memref<5x3200xf32, #tpu.memory_space<hbm>>) dst(%arg5 : memref<5x3200xf32, #tpu.memory_space<vmem>>)
    %dma_wait3A_15 = tpu.memref_slice %arg3[%select_n3A] : memref<100000xi32, #tpu.memory_space<hbm>> -> memref<3200xi32, #tpu.memory_space<hbm>>
    %dma_wait3A_16 = tpu.memref_slice %arg3[%select_n3A] : memref<100000xi32, #tpu.memory_space<hbm>> -> memref<3200xi32, #tpu.memory_space<hbm>>
    tpu.wait_dma2 semaphore(%arg9 : memref<!tpu.dma_semaphore, #tpu.memory_space<semaphore_mem>>) src(%dma_wait3A_16 : memref<3200xi32, #tpu.memory_space<hbm>>) dst(%arg6 : memref<3200xi32, #tpu.memory_space<vmem>>)
    %broadcast_in_dim3A = arith.constant 0.000000e+00 : f32
    %broadcast_in_dim3A_17 = vector.broadcast %broadcast_in_dim3A : f32 to vector<16xf32>
    %parallel_loop3A = arith.constant 200 : i32
    %parallel_loop3A_18 = arith.constant 1 : i32
    %parallel_loop3A_19:5 = scf.for %parallel_loop3A_49 = %select_n3A_6 to %parallel_loop3A step %parallel_loop3A_18 iter_args(%parallel_loop3A_50 = %broadcast_in_dim3A_17, %parallel_loop3A_51 = %broadcast_in_dim3A_17, %parallel_loop3A_52 = %broadcast_in_dim3A_17, %parallel_loop3A_53 = %broadcast_in_dim3A_17, %parallel_loop3A_54 = %broadcast_in_dim3A_17) -> (vector<16xf32>, vector<16xf32>, vector<16xf32>, vector<16xf32>, vector<16xf32>)  : i32 {
      %parallel_loop3A_55 = arith.constant 16 : i32
      %parallel_loop3A_56 = arith.muli %parallel_loop3A_49, %parallel_loop3A_55 : i32
      %parallel_loop3A_57 = arith.constant 0 : i32
      %parallel_loop3A_58 = arith.index_cast %parallel_loop3A_57 : i32 to index
      %parallel_loop3A_59 = arith.index_cast %parallel_loop3A_56 : i32 to index
      %parallel_loop3A_60 = tpu.vector_load %arg5[%parallel_loop3A_58, %parallel_loop3A_59] {strides = array<i32>} : memref<5x3200xf32, #tpu.memory_space<vmem>>, vector<1x16xf32>,
      %parallel_loop3A_61 = vector.shape_cast %parallel_loop3A_60 : vector<1x16xf32> to vector<16xf32>
      %parallel_loop3A_62 = arith.constant 16 : i32
      %parallel_loop3A_63 = arith.muli %parallel_loop3A_49, %parallel_loop3A_62 : i32
      %parallel_loop3A_64 = arith.constant 1 : i32
      %parallel_loop3A_65 = arith.index_cast %parallel_loop3A_64 : i32 to index
      %parallel_loop3A_66 = arith.index_cast %parallel_loop3A_63 : i32 to index
      %parallel_loop3A_67 = tpu.vector_load %arg5[%parallel_loop3A_65, %parallel_loop3A_66] {strides = array<i32>} : memref<5x3200xf32, #tpu.memory_space<vmem>>, vector<1x16xf32>,
      %parallel_loop3A_68 = vector.shape_cast %parallel_loop3A_67 : vector<1x16xf32> to vector<16xf32>
      %parallel_loop3A_69 = arith.constant 16 : i32
      %parallel_loop3A_70 = arith.muli %parallel_loop3A_49, %parallel_loop3A_69 : i32
      %parallel_loop3A_71 = arith.constant 2 : i32
      %parallel_loop3A_72 = arith.index_cast %parallel_loop3A_71 : i32 to index
      %parallel_loop3A_73 = arith.index_cast %parallel_loop3A_70 : i32 to index
      %parallel_loop3A_74 = tpu.vector_load %arg5[%parallel_loop3A_72, %parallel_loop3A_73] {strides = array<i32>} : memref<5x3200xf32, #tpu.memory_space<vmem>>, vector<1x16xf32>,
      %parallel_loop3A_75 = vector.shape_cast %parallel_loop3A_74 : vector<1x16xf32> to vector<16xf32>
      %parallel_loop3A_76 = arith.constant 16 : i32
      %parallel_loop3A_77 = arith.muli %parallel_loop3A_49, %parallel_loop3A_76 : i32
      %parallel_loop3A_78 = arith.constant 3 : i32
      %parallel_loop3A_79 = arith.index_cast %parallel_loop3A_78 : i32 to index
      %parallel_loop3A_80 = arith.index_cast %parallel_loop3A_77 : i32 to index
      %parallel_loop3A_81 = tpu.vector_load %arg5[%parallel_loop3A_79, %parallel_loop3A_80] {strides = array<i32>} : memref<5x3200xf32, #tpu.memory_space<vmem>>, vector<1x16xf32>,
      %parallel_loop3A_82 = vector.shape_cast %parallel_loop3A_81 : vector<1x16xf32> to vector<16xf32>
      %parallel_loop3A_83 = arith.constant 16 : i32
      %parallel_loop3A_84 = arith.muli %parallel_loop3A_49, %parallel_loop3A_83 : i32
      %parallel_loop3A_85 = arith.constant 4 : i32
      %parallel_loop3A_86 = arith.index_cast %parallel_loop3A_85 : i32 to index
      %parallel_loop3A_87 = arith.index_cast %parallel_loop3A_84 : i32 to index
      %parallel_loop3A_88 = tpu.vector_load %arg5[%parallel_loop3A_86, %parallel_loop3A_87] {strides = array<i32>} : memref<5x3200xf32, #tpu.memory_space<vmem>>, vector<1x16xf32>,
      %parallel_loop3A_89 = vector.shape_cast %parallel_loop3A_88 : vector<1x16xf32> to vector<16xf32>
      %parallel_loop3A_90 = arith.maximumf %parallel_loop3A_61, %parallel_loop3A_68 : vector<16xf32>
      %parallel_loop3A_91 = arith.maximumf %parallel_loop3A_90, %parallel_loop3A_75 : vector<16xf32>
      %parallel_loop3A_92 = arith.maximumf %parallel_loop3A_91, %parallel_loop3A_82 : vector<16xf32>
      %parallel_loop3A_93 = arith.maximumf %parallel_loop3A_92, %parallel_loop3A_89 : vector<16xf32>
      %parallel_loop3A_94 = arith.cmpf oeq, %parallel_loop3A_89, %parallel_loop3A_93 : vector<16xf32>
      %parallel_loop3A_95 = arith.constant 4.000000e+00 : f32
      %parallel_loop3A_96 = vector.broadcast %parallel_loop3A_95 : f32 to vector<16xf32>
      %parallel_loop3A_97 = arith.select %parallel_loop3A_94, %parallel_loop3A_96, %broadcast_in_dim3A_17 : vector<16xi1>, vector<16xf32>
      %parallel_loop3A_98 = arith.cmpf oeq, %parallel_loop3A_82, %parallel_loop3A_93 : vector<16xf32>
      %parallel_loop3A_99 = arith.constant 3.000000e+00 : f32
      %parallel_loop3A_100 = vector.broadcast %parallel_loop3A_99 : f32 to vector<16xf32>
      %parallel_loop3A_101 = arith.select %parallel_loop3A_98, %parallel_loop3A_100, %parallel_loop3A_97 : vector<16xi1>, vector<16xf32>
      %parallel_loop3A_102 = arith.cmpf oeq, %parallel_loop3A_75, %parallel_loop3A_93 : vector<16xf32>
      %parallel_loop3A_103 = arith.constant 2.000000e+00 : f32
      %parallel_loop3A_104 = vector.broadcast %parallel_loop3A_103 : f32 to vector<16xf32>
      %parallel_loop3A_105 = arith.select %parallel_loop3A_102, %parallel_loop3A_104, %parallel_loop3A_101 : vector<16xi1>, vector<16xf32>
      %parallel_loop3A_106 = arith.cmpf oeq, %parallel_loop3A_68, %parallel_loop3A_93 : vector<16xf32>
      %parallel_loop3A_107 = arith.constant 1.000000e+00 : f32
      %parallel_loop3A_108 = vector.broadcast %parallel_loop3A_107 : f32 to vector<16xf32>
      %parallel_loop3A_109 = arith.select %parallel_loop3A_106, %parallel_loop3A_108, %parallel_loop3A_105 : vector<16xi1>, vector<16xf32>
      %parallel_loop3A_110 = arith.cmpf oeq, %parallel_loop3A_61, %parallel_loop3A_93 : vector<16xf32>
      %parallel_loop3A_111 = arith.constant 0.000000e+00 : f32
      %parallel_loop3A_112 = vector.broadcast %parallel_loop3A_111 : f32 to vector<16xf32>
      %parallel_loop3A_113 = arith.select %parallel_loop3A_110, %parallel_loop3A_112, %parallel_loop3A_109 : vector<16xi1>, vector<16xf32>
      %parallel_loop3A_114 = arith.constant 16 : i32
      %parallel_loop3A_115 = arith.muli %parallel_loop3A_49, %parallel_loop3A_114 : i32
      %parallel_loop3A_116 = arith.index_cast %parallel_loop3A_115 : i32 to index
      %parallel_loop3A_117 = tpu.vector_load %arg6[%parallel_loop3A_116] {strides = array<i32>} : memref<3200xi32, #tpu.memory_space<vmem>>, vector<16xi32>,
      %parallel_loop3A_118 = vector.shape_cast %parallel_loop3A_117 : vector<16xi32> to vector<16xi32>
      %parallel_loop3A_119 = arith.sitofp %parallel_loop3A_118 : vector<16xi32> to vector<16xf32>
      %parallel_loop3A_120 = arith.addf %parallel_loop3A_50, %parallel_loop3A_119 : vector<16xf32>
      %parallel_loop3A_121 = arith.addf %parallel_loop3A_51, %parallel_loop3A_113 : vector<16xf32>
      %parallel_loop3A_122 = arith.mulf %parallel_loop3A_119, %parallel_loop3A_119 : vector<16xf32>
      %parallel_loop3A_123 = arith.addf %parallel_loop3A_52, %parallel_loop3A_122 : vector<16xf32>
      %parallel_loop3A_124 = arith.mulf %parallel_loop3A_113, %parallel_loop3A_113 : vector<16xf32>
      %parallel_loop3A_125 = arith.addf %parallel_loop3A_53, %parallel_loop3A_124 : vector<16xf32>
      %parallel_loop3A_126 = arith.mulf %parallel_loop3A_119, %parallel_loop3A_113 : vector<16xf32>
      %parallel_loop3A_127 = arith.addf %parallel_loop3A_54, %parallel_loop3A_126 : vector<16xf32>
      scf.yield %parallel_loop3A_120, %parallel_loop3A_121, %parallel_loop3A_123, %parallel_loop3A_125, %parallel_loop3A_127 : vector<16xf32>, vector<16xf32>, vector<16xf32>, vector<16xf32>, vector<16xf32>
    } {sc.loop_unroll_factor = 1 : i64, sc.parallel_access}
    %swap3A = arith.constant 0 : i32
    %swap3A_20 = arith.index_cast %swap3A : i32 to index
    %swap3A_21 = arith.constant 0 : index
    %swap3A_22 = tpu.vector_load %arg7[%swap3A_20, %swap3A_21] {strides = array<i32>} : memref<5x16xf32, #tpu.memory_space<vmem>>, vector<1x16xf32>,
    %swap3A_23 = vector.shape_cast %swap3A_22 : vector<1x16xf32> to vector<16xf32>
    %swap3A_24 = vector.shape_cast %parallel_loop3A_19#0 : vector<16xf32> to vector<1x16xf32>
    tpu.vector_store %arg7[%swap3A_20, %swap3A_21], %swap3A_24 {strides = array<i32>} : memref<5x16xf32, #tpu.memory_space<vmem>>, vector<1x16xf32>,
    %swap3A_25 = arith.constant 1 : i32
    %swap3A_26 = arith.index_cast %swap3A_25 : i32 to index
    %swap3A_27 = arith.constant 0 : index
    %swap3A_28 = tpu.vector_load %arg7[%swap3A_26, %swap3A_27] {strides = array<i32>} : memref<5x16xf32, #tpu.memory_space<vmem>>, vector<1x16xf32>,
    %swap3A_29 = vector.shape_cast %swap3A_28 : vector<1x16xf32> to vector<16xf32>
    %swap3A_30 = vector.shape_cast %parallel_loop3A_19#1 : vector<16xf32> to vector<1x16xf32>
    tpu.vector_store %arg7[%swap3A_26, %swap3A_27], %swap3A_30 {strides = array<i32>} : memref<5x16xf32, #tpu.memory_space<vmem>>, vector<1x16xf32>,
    %swap3A_31 = arith.constant 2 : i32
    %swap3A_32 = arith.index_cast %swap3A_31 : i32 to index
    %swap3A_33 = arith.constant 0 : index
    %swap3A_34 = tpu.vector_load %arg7[%swap3A_32, %swap3A_33] {strides = array<i32>} : memref<5x16xf32, #tpu.memory_space<vmem>>, vector<1x16xf32>,
    %swap3A_35 = vector.shape_cast %swap3A_34 : vector<1x16xf32> to vector<16xf32>
    %swap3A_36 = vector.shape_cast %parallel_loop3A_19#2 : vector<16xf32> to vector<1x16xf32>
    tpu.vector_store %arg7[%swap3A_32, %swap3A_33], %swap3A_36 {strides = array<i32>} : memref<5x16xf32, #tpu.memory_space<vmem>>, vector<1x16xf32>,
    %swap3A_37 = arith.constant 3 : i32
    %swap3A_38 = arith.index_cast %swap3A_37 : i32 to index
    %swap3A_39 = arith.constant 0 : index
    %swap3A_40 = tpu.vector_load %arg7[%swap3A_38, %swap3A_39] {strides = array<i32>} : memref<5x16xf32, #tpu.memory_space<vmem>>, vector<1x16xf32>,
    %swap3A_41 = vector.shape_cast %swap3A_40 : vector<1x16xf32> to vector<16xf32>
    %swap3A_42 = vector.shape_cast %parallel_loop3A_19#3 : vector<16xf32> to vector<1x16xf32>
    tpu.vector_store %arg7[%swap3A_38, %swap3A_39], %swap3A_42 {strides = array<i32>} : memref<5x16xf32, #tpu.memory_space<vmem>>, vector<1x16xf32>,
    %swap3A_43 = arith.constant 4 : i32
    %swap3A_44 = arith.index_cast %swap3A_43 : i32 to index
    %swap3A_45 = arith.constant 0 : index
    %swap3A_46 = tpu.vector_load %arg7[%swap3A_44, %swap3A_45] {strides = array<i32>} : memref<5x16xf32, #tpu.memory_space<vmem>>, vector<1x16xf32>,
    %swap3A_47 = vector.shape_cast %swap3A_46 : vector<1x16xf32> to vector<16xf32>
    %swap3A_48 = vector.shape_cast %parallel_loop3A_19#4 : vector<16xf32> to vector<1x16xf32>
    tpu.vector_store %arg7[%swap3A_44, %swap3A_45], %swap3A_48 {strides = array<i32>} : memref<5x16xf32, #tpu.memory_space<vmem>>, vector<1x16xf32>,
    "tpu.region"() ({
      %run_scoped3A = tpu.sem_alloc : memref<!tpu.dma_semaphore, #tpu.memory_space<semaphore_mem>>
      %dma_start3A_49 = arith.constant 0 : i32
      %dma_start3A_50 = arith.constant 0 : i32
      %dma_start3A_51 = tpu.memref_slice %arg4[%add3A, %dma_start3A_49, %dma_start3A_50] : memref<32x5x16xf32, #tpu.memory_space<hbm>> -> memref<1x5x16xf32, #tpu.memory_space<hbm>>
      %dma_start3A_52 = tpu.memref_squeeze %dma_start3A_51 : memref<1x5x16xf32, #tpu.memory_space<hbm>> -> memref<5x16xf32, #tpu.memory_space<hbm>>
      %dma_start3A_53 = arith.constant 0 : i32
      %dma_start3A_54 = arith.constant 0 : i32
      %dma_start3A_55 = tpu.memref_slice %arg4[%add3A, %dma_start3A_53, %dma_start3A_54] : memref<32x5x16xf32, #tpu.memory_space<hbm>> -> memref<1x5x16xf32, #tpu.memory_space<hbm>>
      %dma_start3A_56 = tpu.memref_squeeze %dma_start3A_55 : memref<1x5x16xf32, #tpu.memory_space<hbm>> -> memref<5x16xf32, #tpu.memory_space<hbm>>
      tpu.enqueue_dma source(%arg7 : memref<5x16xf32, #tpu.memory_space<vmem>>) target(%dma_start3A_56 : memref<5x16xf32, #tpu.memory_space<hbm>>) target_semaphore(%run_scoped3A : memref<!tpu.dma_semaphore, #tpu.memory_space<semaphore_mem>>)
      %dma_wait3A_57 = arith.constant 0 : i32
      %dma_wait3A_58 = arith.constant 0 : i32
      %dma_wait3A_59 = tpu.memref_slice %arg4[%add3A, %dma_wait3A_57, %dma_wait3A_58] : memref<32x5x16xf32, #tpu.memory_space<hbm>> -> memref<1x5x16xf32, #tpu.memory_space<hbm>>
      %dma_wait3A_60 = tpu.memref_squeeze %dma_wait3A_59 : memref<1x5x16xf32, #tpu.memory_space<hbm>> -> memref<5x16xf32, #tpu.memory_space<hbm>>
      %dma_wait3A_61 = arith.constant 0 : i32
      %dma_wait3A_62 = arith.constant 0 : i32
      %dma_wait3A_63 = tpu.memref_slice %arg4[%add3A, %dma_wait3A_61, %dma_wait3A_62] : memref<32x5x16xf32, #tpu.memory_space<hbm>> -> memref<1x5x16xf32, #tpu.memory_space<hbm>>
      %dma_wait3A_64 = tpu.memref_squeeze %dma_wait3A_63 : memref<1x5x16xf32, #tpu.memory_space<hbm>> -> memref<5x16xf32, #tpu.memory_space<hbm>>
      tpu.wait_dma2 semaphore(%run_scoped3A : memref<!tpu.dma_semaphore, #tpu.memory_space<semaphore_mem>>) src(%arg7 : memref<5x16xf32, #tpu.memory_space<vmem>>) dst(%dma_wait3A_64 : memref<5x16xf32, #tpu.memory_space<hbm>>)
      tpu.yield
    }) : () -> ()
    return
  }
}

module attributes {stable_mosaic.version = 14 : i64} {
  func.func @tc_body(%arg0: i32, %arg1: memref<32x5x16xf32, #tpu.memory_space<vmem>>, %arg2: memref<5x512xf32, #tpu.memory_space<vmem>>, %arg3: memref<512xi32, #tpu.memory_space<vmem>>, %arg4: memref<1x1xf32, #tpu.memory_space<smem>>) attributes {dimension_semantics = [#tpu.dimension_semantics<arbitrary>], iteration_bounds = array<i64: 1>, scalar_prefetch = 0 : i64, scratch_operands = 0 : i64, tpu.core_type = #tpu.core_type<tc>, window_params = [{pipeline_mode = #tpu.pipeline_mode<synchronous>, transform_indices = @transform_0, window_bounds = array<i64: 32, 5, 16>}, {transform_indices = @transform_1, window_bounds = array<i64: 5, 512>}, {transform_indices = @transform_2, window_bounds = array<i64: 512>}, {transform_indices = @transform_3, window_bounds = array<i64: 1, 1>}]} {
    %get3A = arith.constant 0 : index
    %get3A_0 = arith.constant 0 : index
    %get3A_1 = arith.constant 0 : index
    %get3A_2 = vector.load %arg1[%get3A, %get3A_0, %get3A_1] : memref<32x5x16xf32, #tpu.memory_space<vmem>>, vector<32x5x16xf32>
    %slice3A = vector.extract_strided_slice %get3A_2 {offsets = [0, 0, 0], sizes = [32, 1, 16], strides = [1, 1, 1]} : vector<32x5x16xf32> to vector<32x1x16xf32>
    %squeeze3A = vector.shape_cast %slice3A : vector<32x1x16xf32> to vector<32x16xf32>
    %reduce_sum3A = vector.shape_cast %squeeze3A : vector<32x16xf32> to vector<1x32x16xf32>
    %reduce_sum3A_3 = arith.constant dense<0.000000e+00> : vector<1xf32>
    %reduce_sum3A_4 = vector.multi_reduction <add>, %reduce_sum3A, %reduce_sum3A_3 [1, 2] : vector<1x32x16xf32> to vector<1xf32>
    %reduce_sum3A_5 = vector.shape_cast %reduce_sum3A_4 : vector<1xf32> to vector<1x1x1xf32>
    %reduce_sum3A_6 = vector.extract %reduce_sum3A_5[0, 0, 0] : f32 from vector<1x1x1xf32>
    %slice3A_7 = vector.extract_strided_slice %get3A_2 {offsets = [0, 1, 0], sizes = [32, 1, 16], strides = [1, 1, 1]} : vector<32x5x16xf32> to vector<32x1x16xf32>
    %squeeze3A_8 = vector.shape_cast %slice3A_7 : vector<32x1x16xf32> to vector<32x16xf32>
    %reduce_sum3A_9 = vector.shape_cast %squeeze3A_8 : vector<32x16xf32> to vector<1x32x16xf32>
    %reduce_sum3A_10 = arith.constant dense<0.000000e+00> : vector<1xf32>
    %reduce_sum3A_11 = vector.multi_reduction <add>, %reduce_sum3A_9, %reduce_sum3A_10 [1, 2] : vector<1x32x16xf32> to vector<1xf32>
    %reduce_sum3A_12 = vector.shape_cast %reduce_sum3A_11 : vector<1xf32> to vector<1x1x1xf32>
    %reduce_sum3A_13 = vector.extract %reduce_sum3A_12[0, 0, 0] : f32 from vector<1x1x1xf32>
    %slice3A_14 = vector.extract_strided_slice %get3A_2 {offsets = [0, 2, 0], sizes = [32, 1, 16], strides = [1, 1, 1]} : vector<32x5x16xf32> to vector<32x1x16xf32>
    %squeeze3A_15 = vector.shape_cast %slice3A_14 : vector<32x1x16xf32> to vector<32x16xf32>
    %reduce_sum3A_16 = vector.shape_cast %squeeze3A_15 : vector<32x16xf32> to vector<1x32x16xf32>
    %reduce_sum3A_17 = arith.constant dense<0.000000e+00> : vector<1xf32>
    %reduce_sum3A_18 = vector.multi_reduction <add>, %reduce_sum3A_16, %reduce_sum3A_17 [1, 2] : vector<1x32x16xf32> to vector<1xf32>
    %reduce_sum3A_19 = vector.shape_cast %reduce_sum3A_18 : vector<1xf32> to vector<1x1x1xf32>
    %reduce_sum3A_20 = vector.extract %reduce_sum3A_19[0, 0, 0] : f32 from vector<1x1x1xf32>
    %slice3A_21 = vector.extract_strided_slice %get3A_2 {offsets = [0, 3, 0], sizes = [32, 1, 16], strides = [1, 1, 1]} : vector<32x5x16xf32> to vector<32x1x16xf32>
    %squeeze3A_22 = vector.shape_cast %slice3A_21 : vector<32x1x16xf32> to vector<32x16xf32>
    %reduce_sum3A_23 = vector.shape_cast %squeeze3A_22 : vector<32x16xf32> to vector<1x32x16xf32>
    %reduce_sum3A_24 = arith.constant dense<0.000000e+00> : vector<1xf32>
    %reduce_sum3A_25 = vector.multi_reduction <add>, %reduce_sum3A_23, %reduce_sum3A_24 [1, 2] : vector<1x32x16xf32> to vector<1xf32>
    %reduce_sum3A_26 = vector.shape_cast %reduce_sum3A_25 : vector<1xf32> to vector<1x1x1xf32>
    %reduce_sum3A_27 = vector.extract %reduce_sum3A_26[0, 0, 0] : f32 from vector<1x1x1xf32>
    %slice3A_28 = vector.extract_strided_slice %get3A_2 {offsets = [0, 4, 0], sizes = [32, 1, 16], strides = [1, 1, 1]} : vector<32x5x16xf32> to vector<32x1x16xf32>
    %squeeze3A_29 = vector.shape_cast %slice3A_28 : vector<32x1x16xf32> to vector<32x16xf32>
    %reduce_sum3A_30 = vector.shape_cast %squeeze3A_29 : vector<32x16xf32> to vector<1x32x16xf32>
    %reduce_sum3A_31 = arith.constant dense<0.000000e+00> : vector<1xf32>
    %reduce_sum3A_32 = vector.multi_reduction <add>, %reduce_sum3A_30, %reduce_sum3A_31 [1, 2] : vector<1x32x16xf32> to vector<1xf32>
    %reduce_sum3A_33 = vector.shape_cast %reduce_sum3A_32 : vector<1xf32> to vector<1x1x1xf32>
    %reduce_sum3A_34 = vector.extract %reduce_sum3A_33[0, 0, 0] : f32 from vector<1x1x1xf32>
    %get3A_35 = arith.constant 0 : index
    %get3A_36 = arith.constant 0 : index
    %get3A_37 = vector.load %arg2[%get3A_35, %get3A_36] : memref<5x512xf32, #tpu.memory_space<vmem>>, vector<5x512xf32>
    %iota3A = tpu.iota {dimensions = array<i32: 1>} : vector<1x512xi32>
    %ge3A = arith.constant 128 : i32
    %ge3A_38 = vector.broadcast %ge3A : i32 to vector<1x512xi32>
    %ge3A_39 = arith.cmpi sge, %iota3A, %ge3A_38 : vector<1x512xi32>
    %lt3A = arith.constant 160 : i32
    %lt3A_40 = vector.broadcast %lt3A : i32 to vector<1x512xi32>
    %lt3A_41 = arith.cmpi slt, %iota3A, %lt3A_40 : vector<1x512xi32>
    %and3A = arith.andi %ge3A_39, %lt3A_41 : vector<1x512xi1>
    %slice3A_42 = vector.extract_strided_slice %get3A_37 {offsets = [0, 0], sizes = [1, 512], strides = [1, 1]} : vector<5x512xf32> to vector<1x512xf32>
    %broadcast_in_dim3A = arith.constant 0.000000e+00 : f32
    %broadcast_in_dim3A_43 = vector.broadcast %broadcast_in_dim3A : f32 to vector<1x512xf32>
    %slice3A_44 = vector.extract_strided_slice %get3A_37 {offsets = [1, 0], sizes = [1, 512], strides = [1, 1]} : vector<5x512xf32> to vector<1x512xf32>
    %gt3A = arith.cmpf ogt, %slice3A_44, %slice3A_42 : vector<1x512xf32>
    %select_n3A = arith.select %gt3A, %slice3A_44, %slice3A_42 : vector<1x512xi1>, vector<1x512xf32>
    %jit3A = arith.constant 1.000000e+00 : f32
    %broadcast_in_dim3A_45 = vector.broadcast %jit3A : f32 to vector<1x512xf32>
    %select_n3A_46 = arith.select %gt3A, %broadcast_in_dim3A_45, %broadcast_in_dim3A_43 : vector<1x512xi1>, vector<1x512xf32>
    %slice3A_47 = vector.extract_strided_slice %get3A_37 {offsets = [2, 0], sizes = [1, 512], strides = [1, 1]} : vector<5x512xf32> to vector<1x512xf32>
    %gt3A_48 = arith.cmpf ogt, %slice3A_47, %select_n3A : vector<1x512xf32>
    %select_n3A_49 = arith.select %gt3A_48, %slice3A_47, %select_n3A : vector<1x512xi1>, vector<1x512xf32>
    %jit3A_50 = arith.constant 2.000000e+00 : f32
    %broadcast_in_dim3A_51 = vector.broadcast %jit3A_50 : f32 to vector<1x512xf32>
    %select_n3A_52 = arith.select %gt3A_48, %broadcast_in_dim3A_51, %select_n3A_46 : vector<1x512xi1>, vector<1x512xf32>
    %slice3A_53 = vector.extract_strided_slice %get3A_37 {offsets = [3, 0], sizes = [1, 512], strides = [1, 1]} : vector<5x512xf32> to vector<1x512xf32>
    %gt3A_54 = arith.cmpf ogt, %slice3A_53, %select_n3A_49 : vector<1x512xf32>
    %select_n3A_55 = arith.select %gt3A_54, %slice3A_53, %select_n3A_49 : vector<1x512xi1>, vector<1x512xf32>
    %jit3A_56 = arith.constant 3.000000e+00 : f32
    %broadcast_in_dim3A_57 = vector.broadcast %jit3A_56 : f32 to vector<1x512xf32>
    %select_n3A_58 = arith.select %gt3A_54, %broadcast_in_dim3A_57, %select_n3A_52 : vector<1x512xi1>, vector<1x512xf32>
    %slice3A_59 = vector.extract_strided_slice %get3A_37 {offsets = [4, 0], sizes = [1, 512], strides = [1, 1]} : vector<5x512xf32> to vector<1x512xf32>
    %gt3A_60 = arith.cmpf ogt, %slice3A_59, %select_n3A_55 : vector<1x512xf32>
    %jit3A_61 = arith.constant 4.000000e+00 : f32
    %broadcast_in_dim3A_62 = vector.broadcast %jit3A_61 : f32 to vector<1x512xf32>
    %select_n3A_63 = arith.select %gt3A_60, %broadcast_in_dim3A_62, %select_n3A_58 : vector<1x512xi1>, vector<1x512xf32>
    %get3A_64 = arith.constant 0 : index
    %get3A_65 = vector.load %arg3[%get3A_64] : memref<512xi32, #tpu.memory_space<vmem>>, vector<512xi32>
    %reshape3A = vector.shape_cast %get3A_65 : vector<512xi32> to vector<1x512xi32>
    %jit3A_66 = arith.constant 0 : i32
    %broadcast_in_dim3A_67 = vector.broadcast %jit3A_66 : i32 to vector<1x512xi32>
    %select_n3A_68 = arith.select %and3A, %reshape3A, %broadcast_in_dim3A_67 : vector<1x512xi1>, vector<1x512xi32>
    %convert_element_type3A = arith.sitofp %select_n3A_68 : vector<1x512xi32> to vector<1x512xf32>
    %jit3A_69 = arith.constant 0.000000e+00 : f32
    %broadcast_in_dim3A_70 = vector.broadcast %jit3A_69 : f32 to vector<1x512xf32>
    %select_n3A_71 = arith.select %and3A, %select_n3A_63, %broadcast_in_dim3A_70 : vector<1x512xi1>, vector<1x512xf32>
    %reduce_sum3A_72 = vector.shape_cast %convert_element_type3A : vector<1x512xf32> to vector<1x1x512xf32>
    %reduce_sum3A_73 = arith.constant dense<0.000000e+00> : vector<1xf32>
    %reduce_sum3A_74 = vector.multi_reduction <add>, %reduce_sum3A_72, %reduce_sum3A_73 [1, 2] : vector<1x1x512xf32> to vector<1xf32>
    %reduce_sum3A_75 = vector.shape_cast %reduce_sum3A_74 : vector<1xf32> to vector<1x1x1xf32>
    %reduce_sum3A_76 = vector.extract %reduce_sum3A_75[0, 0, 0] : f32 from vector<1x1x1xf32>
    %add3A = arith.addf %reduce_sum3A_6, %reduce_sum3A_76 : f32
    %reduce_sum3A_77 = vector.shape_cast %select_n3A_71 : vector<1x512xf32> to vector<1x1x512xf32>
    %reduce_sum3A_78 = arith.constant dense<0.000000e+00> : vector<1xf32>
    %reduce_sum3A_79 = vector.multi_reduction <add>, %reduce_sum3A_77, %reduce_sum3A_78 [1, 2] : vector<1x1x512xf32> to vector<1xf32>
    %reduce_sum3A_80 = vector.shape_cast %reduce_sum3A_79 : vector<1xf32> to vector<1x1x1xf32>
    %reduce_sum3A_81 = vector.extract %reduce_sum3A_80[0, 0, 0] : f32 from vector<1x1x1xf32>
    %add3A_82 = arith.addf %reduce_sum3A_13, %reduce_sum3A_81 : f32
    %mul3A = arith.mulf %convert_element_type3A, %convert_element_type3A : vector<1x512xf32>
    %reduce_sum3A_83 = vector.shape_cast %mul3A : vector<1x512xf32> to vector<1x1x512xf32>
    %reduce_sum3A_84 = arith.constant dense<0.000000e+00> : vector<1xf32>
    %reduce_sum3A_85 = vector.multi_reduction <add>, %reduce_sum3A_83, %reduce_sum3A_84 [1, 2] : vector<1x1x512xf32> to vector<1xf32>
    %reduce_sum3A_86 = vector.shape_cast %reduce_sum3A_85 : vector<1xf32> to vector<1x1x1xf32>
    %reduce_sum3A_87 = vector.extract %reduce_sum3A_86[0, 0, 0] : f32 from vector<1x1x1xf32>
    %add3A_88 = arith.addf %reduce_sum3A_20, %reduce_sum3A_87 : f32
    %mul3A_89 = arith.mulf %select_n3A_71, %select_n3A_71 : vector<1x512xf32>
    %reduce_sum3A_90 = vector.shape_cast %mul3A_89 : vector<1x512xf32> to vector<1x1x512xf32>
    %reduce_sum3A_91 = arith.constant dense<0.000000e+00> : vector<1xf32>
    %reduce_sum3A_92 = vector.multi_reduction <add>, %reduce_sum3A_90, %reduce_sum3A_91 [1, 2] : vector<1x1x512xf32> to vector<1xf32>
    %reduce_sum3A_93 = vector.shape_cast %reduce_sum3A_92 : vector<1xf32> to vector<1x1x1xf32>
    %reduce_sum3A_94 = vector.extract %reduce_sum3A_93[0, 0, 0] : f32 from vector<1x1x1xf32>
    %add3A_95 = arith.addf %reduce_sum3A_27, %reduce_sum3A_94 : f32
    %mul3A_96 = arith.mulf %convert_element_type3A, %select_n3A_71 : vector<1x512xf32>
    %reduce_sum3A_97 = vector.shape_cast %mul3A_96 : vector<1x512xf32> to vector<1x1x512xf32>
    %reduce_sum3A_98 = arith.constant dense<0.000000e+00> : vector<1xf32>
    %reduce_sum3A_99 = vector.multi_reduction <add>, %reduce_sum3A_97, %reduce_sum3A_98 [1, 2] : vector<1x1x512xf32> to vector<1xf32>
    %reduce_sum3A_100 = vector.shape_cast %reduce_sum3A_99 : vector<1xf32> to vector<1x1x1xf32>
    %reduce_sum3A_101 = vector.extract %reduce_sum3A_100[0, 0, 0] : f32 from vector<1x1x1xf32>
    %add3A_102 = arith.addf %reduce_sum3A_34, %reduce_sum3A_101 : f32
    %mul3A_103 = arith.constant 2.000000e+00 : f32
    %mul3A_104 = arith.mulf %mul3A_103, %add3A_102 : f32
    %sub3A = arith.subf %add3A_88, %mul3A_104 : f32
    %add3A_105 = arith.addf %sub3A, %add3A_95 : f32
    %div3A = arith.constant 1.600000e+01 : f32
    %div3A_106 = arith.divf %add3A_105, %div3A : f32
    %mul3A_107 = arith.constant 1.000000e+05 : f32
    %mul3A_108 = arith.mulf %mul3A_107, %add3A_88 : f32
    %mul3A_109 = arith.constant 2.000000e+00 : f32
    %mul3A_110 = arith.mulf %mul3A_109, %add3A : f32
    %mul3A_111 = arith.mulf %mul3A_110, %add3A_82 : f32
    %sub3A_112 = arith.subf %mul3A_108, %mul3A_111 : f32
    %mul3A_113 = arith.constant 1.000000e+05 : f32
    %mul3A_114 = arith.mulf %mul3A_113, %add3A_95 : f32
    %add3A_115 = arith.addf %sub3A_112, %mul3A_114 : f32
    %mul3A_116 = arith.constant 1.600000e+01 : f32
    %mul3A_117 = arith.constant 1.000000e+05 : f32
    %mul3A_118 = arith.mulf %mul3A_116, %mul3A_117 : f32
    %div3A_119 = arith.divf %add3A_115, %mul3A_118 : f32
    %add3A_120 = arith.constant 9.99999997E-7 : f32
    %add3A_121 = arith.addf %div3A_119, %add3A_120 : f32
    %div3A_122 = arith.divf %div3A_106, %add3A_121 : f32
    %swap3A = arith.constant 0 : index
    %swap3A_123 = arith.constant 0 : index
    %swap3A_124 = memref.load %arg4[%swap3A, %swap3A_123] : memref<1x1xf32, #tpu.memory_space<smem>>
    memref.store %div3A_122, %arg4[%swap3A, %swap3A_123] : memref<1x1xf32, #tpu.memory_space<smem>>
    return
  }
  func.func @transform_0(%arg0: i32) -> (i32, i32, i32) {
    %c0_i32 = arith.constant 0 : i32
    %c0_i32_0 = arith.constant 0 : i32
    %c0_i32_1 = arith.constant 0 : i32
    %c0_i32_2 = arith.constant 0 : i32
    return %c0_i32, %c0_i32_0, %c0_i32_1 : i32, i32, i32
  }
  func.func @transform_1(%arg0: i32) -> (i32, i32) {
    %c0_i32 = arith.constant 0 : i32
    %c195_i32 = arith.constant 195 : i32
    %c0_i32_0 = arith.constant 0 : i32
    return %c0_i32, %c195_i32 : i32, i32
  }
  func.func @transform_2(%arg0: i32) -> i32 {
    %c195_i32 = arith.constant 195 : i32
    %c0_i32 = arith.constant 0 : i32
    return %c195_i32 : i32
  }
  func.func @transform_3(%arg0: i32) -> (i32, i32) {
    %c0_i32 = arith.constant 0 : i32
    %c0_i32_0 = arith.constant 0 : i32
    %c0_i32_1 = arith.constant 0 : i32
    return %c0_i32, %c0_i32_0 : i32, i32
  }
}

</mosaic_0001>

<sc_bundles>
// kernel: kernel.4.cloned.1.call-start
scs
__scs_entry_jumppad:
0x0: {  	(pc) =	sbr.rel $0x88, $3  }
0x1: {  	(tag) =	ssettag $0x0;
	lr =	simm.s32 $0x1  }
0x2: {  	[smem:$0x3F9F] =	sst lr;
	_ =	strace $0xD0000000  }
0x3: {  	_ = 	snop  }
0x4: {  	_ = 	snop  }
0x5: {  	_ = 	snop  }
0x6: {  	_ = 	snop  }
0x7: {  	_ = 	snop  }
__scs_overlays_trampoline_lowered:
0x8: {  	[smem:$0x3FAE] =	sst s0  }
0x9: {  	[smem:$0x3FAF] =	sst s1  }
0xa: {  	[smem:$0x3FB0] =	sst s2  }
0xb: {  	[smem:$0x3FB1] =	sst s3  }
0xc: {  	[smem:$0x3FB2] =	sst s4  }
0xd: {  	[smem:$0x3FB3] =	sst s5  }
0xe: {  	[smem:$0x3FB4] =	sst s6  }
0xf: {  	[smem:$0x3FB5] =	sst s7  }
0x10: {  	[smem:$0x3FB6] =	sst s8  }
0x11: {  	[smem:$0x3FB7] =	sst s9;
	s0 =	simm.s32 @!p0 $0x0  }
0x12: {  	s1 =	sld [smem:$0x3F9D];
	s0 =	simm.s32 @p0 $0x1  }
0x13: {  	[smem:$0x3FB8] =	sst s0;
	s0 =	simm.s32 @!p1 $0x0  }
0x14: {  	s2 =	sld [smem:$0x3F9C];
	s0 =	simm.s32 @p1 $0x1  }
0x15: {  	[smem:$0x3FB9] =	sst s0;
	s0 =	simm.s32 @!p2 $0x0  }
0x16: {  	s3 =	sld [smem:$0x3FDB];
	s0 =	simm.s32 @p2 $0x1  }
0x17: {  	s4 =	simm.s32 $0x1BF5;
	[smem:$0x3FBB] =	sst s0  }
0x18: {  	s0 =	sld [smem:$0x3F9E];
	_ =	swait.ge [sflag:s4], $0x0  }
0x19: {  	s7 =	sld [smem:$0x3F9F]  }
0x1a: {  	s8 =	sadd.s32 $0xFFFFE003, lr  }
0x1b: {  	s9 =	sadd.s32 $0xFFFFFEF7, lr;
	s5 =	simm.s32 $0xFFFFFFFF;
	p2 =	slt.u32 s8, $0xFFFFF086  }
0x1c: {  	p1 =	slt.u32 s9, $0xF7A;
	s5 =	simm.s32 @!p2 $0x0  }
0x1d: {  	s5 =	simm.s32 @p1 $0x1;
	p0 =	seq.s32 s7, s2  }
0x1e: {  	s7 =	smul.u32 @!p0 $0xF7A, s2;
	p2 =	seq.s32 @!p0 s5, $0x0  }
0x1f: {  	s9 =	smul.u32 $0xF7A, s1;
	s8 =	simm.s32 @!p0 $0x1BF5;
	p2 =	por !p2, p0  }
0x20: {  	[sflag:s8] =	ssyncset.s32 @!p0 $0xFFFFF086;
	s6 =	sadd.s32 @!p0 s3, s7;
	s7 =	simm.s32 @!p0 $0x108  }
0x21: {  	s3 =	sadd.s32 s3, s9;
	s6 =	sadd.s32 @!p0 $0x88, s6;
	s7 =	simm.s32 @p2 $0x1082  }
0x22: {  	[simem:s7], [sflag:s8] =	dma.local @!p0 [hbm:s6], $0xF7A  }
0x23: {  	s9 =	sor.u32 $0xD0000000, s2;
	s6 =	simm.s32 $0x108;
	_ =	swait.ge @!p0 [sflag:s8], $0x0  }
0x24: {  	s3 =	sadd.s32 $0x88, s3;
	s6 =	simm.s32 @!p1 $0x1082;
	[sflag:s4] =	ssyncset.s32 $0xFFFFF086  }
0x25: {  	[simem:s6], [sflag:s4] =	dma.local [hbm:s3], $0xF7A  }
0x26: {  	[smem:$0x3F9F] =	sst s1;
	(tag) =	ssettag s2;
	_ =	strace s9  }
0x27: {  	s1 =	sld [smem:$0x3FAF]  }
0x28: {  	s2 =	sld [smem:$0x3FB0]  }
0x29: {  	s4 =	sld [smem:$0x3FB2]  }
0x2a: {  	p0 =	seq.s32 s5, $0x0;
	s5 =	sld [smem:$0x3FB3]  }
0x2b: {  	s6 =	sld [smem:$0x3FB4]  }
0x2c: {  	s7 =	sld [smem:$0x3FB5]  }
0x2d: {  	s3 =	simm.s32 $0x108;
	s8 =	sld [smem:$0x3FB6]  }
0x2e: {  	s3 =	simm.s32 @!p0 $0x1082;
	s9 =	sld [smem:$0x3FB7]  }
0x2f: {  	lr =	sadd.s32 s0, s3;
	s0 =	sld [smem:$0x3FAE]  }
0x30: {  	s3 =	sld [smem:$0x3FB1]  }
0x31: {  	[smem:$0x3FBA] =	sst s10  }
0x32: {  	s10 =	sld [smem:$0x3FB8];
	_ =	sdelay $0x3  }
0x33: {  	p0 =	seq.s32 s10, $0x1;
	s10 =	sld [smem:$0x3FBA];
	_ =	sdelay $0x3  }
0x34: {  	[smem:$0x3FBA] =	sst s10  }
0x35: {  	s10 =	sld [smem:$0x3FB9];
	_ =	sdelay $0x3  }
0x36: {  	p1 =	seq.s32 s10, $0x1;
	s10 =	sld [smem:$0x3FBA];
	_ =	sdelay $0x3  }
0x37: {  	[smem:$0x3FBA] =	sst s10  }
0x38: {  	s10 =	sld [smem:$0x3FBB]  }
0x39: {  	_ = 	snop;
	(pc) =	sbr.ind lr, $3  }
0x3a: {  	_ = 	snop  }
0x3b: {  	_ = 	snop  }
0x3c: {  	p2 =	seq.s32 s10, $0x1;
	s10 =	sld [smem:$0x3FBA]  }
0x3d: {  	_ =	shalt  }
0x3e: {  	_ =	shalt  }
0x3f: {  	_ =	shalt  }
0x40: {  	_ =	shalt  }
0x41: {  	_ =	shalt  }
0x42: {  	_ =	shalt  }
0x43: {  	_ =	shalt  }
0x44: {  	_ =	shalt  }
0x45: {  	_ =	shalt  }
0x46: {  	_ =	shalt  }
0x47: {  	_ =	shalt  }
0x48: {  	_ =	shalt  }
0x49: {  	_ =	shalt  }
0x4a: {  	_ =	shalt  }
0x4b: {  	_ =	shalt  }
0x4c: {  	_ =	shalt  }
0x4d: {  	_ =	shalt  }
0x4e: {  	_ =	shalt  }
0x4f: {  	_ =	shalt  }
0x50: {  	_ =	shalt  }
0x51: {  	_ =	shalt  }
0x52: {  	_ =	shalt  }
0x53: {  	_ =	shalt  }
0x54: {  	_ =	shalt  }
0x55: {  	_ =	shalt  }
0x56: {  	_ =	shalt  }
0x57: {  	_ =	shalt  }
0x58: {  	_ =	shalt  }
0x59: {  	_ =	shalt  }
0x5a: {  	_ =	shalt  }
0x5b: {  	_ =	shalt  }
0x5c: {  	_ =	shalt  }
0x5d: {  	_ =	shalt  }
0x5e: {  	_ =	shalt  }
0x5f: {  	_ =	shalt  }
0x60: {  	_ =	shalt  }
0x61: {  	_ =	shalt  }
0x62: {  	_ =	shalt  }
0x63: {  	_ =	shalt  }
0x64: {  	_ =	shalt  }
0x65: {  	_ =	shalt  }
0x66: {  	_ =	shalt  }
0x67: {  	_ =	shalt  }
0x68: {  	_ =	shalt  }
0x69: {  	_ =	shalt  }
0x6a: {  	_ =	shalt  }
0x6b: {  	_ =	shalt  }
0x6c: {  	_ =	shalt  }
0x6d: {  	_ =	shalt  }
0x6e: {  	_ =	shalt  }
0x6f: {  	_ =	shalt  }
0x70: {  	_ =	shalt  }
0x71: {  	_ =	shalt  }
0x72: {  	_ =	shalt  }
0x73: {  	_ =	shalt  }
0x74: {  	_ =	shalt  }
0x75: {  	_ =	shalt  }
0x76: {  	_ =	shalt  }
0x77: {  	_ =	shalt  }
0x78: {  	_ =	shalt  }
0x79: {  	_ =	shalt  }
0x7a: {  	_ =	shalt  }
0x7b: {  	_ =	shalt  }
0x7c: {  	_ =	shalt  }
0x7d: {  	_ =	shalt  }
0x7e: {  	_ =	shalt  }
0x7f: {  	_ =	shalt  }
0x80: {  	_ =	shalt  }
0x81: {  	_ =	shalt  }
0x82: {  	_ =	shalt  }
0x83: {  	_ =	shalt  }
0x84: {  	_ =	shalt  }
0x85: {  	_ =	shalt  }
0x86: {  	_ =	shalt  }
0x87: {  	_ =	shalt  }
.Lfunc_end0:
.L_simem_size_0:
called_computation_lowered:
.L_overlay_start_0:
0x88: {  	s2 =	sld [smem:$0x3FD9]  }
0x89: {  	s3 =	sld [smem:$0x3FFE];
	_ =	sdelay $0x1  }
0x8a: {  	s1 =	srdreg.scid  }
0x8b: {  	s0 =	sand.u32 $0x1, s1  }
0x8c: {  	s17 =	sshll.u32 s0, $0xA;
	s2 =	sadd.s32 s3, s2  }
0x8d: {  	s2 =	sadd.s32 s2, s17  }
0x8e: {  	[smem:$0x3FC6] =	sst s2  }
0x8f: {  	_ = 	snop  }
0x90: {  	s2 =	sld [smem:$0x3FC9]  }
0x91: {  	s18 =	sld [smem:$0x3FC8];
	(tm) =	ssettm $0x1  }
0x92: {  	s4 =	sld [smem:$0x3FFB];
	_ =	sdelay $0x3  }
0x93: {  	_ =	strace s4  }
0x94: {  	s4 =	sld [smem:$0x3FFC];
	_ =	sdelay $0x3  }
0x95: {  	_ =	strace s4  }
0x96: {  	s4 =	sld [smem:$0x3FFD];
	_ =	sdelay $0x3  }
0x97: {  	_ =	strace s4  }
0x98: {  	_ =	strace $0x8FFFFFFF  }
0x99: {  	s19 =	sld [smem:$0x3FDB];
	_ =	sdelay $0x1  }
0x9a: {  	s5 =	simm.s32 $_scs_section_size  }
0x9b: {  	s6 =	simm.s32 $_size__tile_overlayer_lowered;
	s7 =	simm.s32 $_tile_overlayer_lowered  }
0x9c: {  	s22 =	simm.s32 $0x1BFF;
	s21 =	sshll.u32 s7, $0x1;
	s4 =	sadd.s32 s5, s19  }
0x9d: {  	s8 =	simm.s32 $0x0;
	s20 =	sshll.u32 s6, $0x1;
	s6 =	sadd.s32 s21, s4  }
0x9e: {  	[timem:s8], [sflag:s22] =	dma.local [hbm:s6], s20  }
0x9f: {  	_ =	swait.ge [sflag:s22], s20  }
0xa0: {  	s5 =	ssub.s32 $0x0, s20;
	[sflag:s22] =	ssyncset.done $0x0  }
0xa1: {  	[sflag:s22] =	ssyncadd.s32 s5;
	_ =	sdelay $0x1  }
0xa2: {  	s23 =	simm.s32 $0x1B8B  }
0xa3: {  	_ =	swait.ge [sflag:s23], $0x1  }
0xa4: {  	[sflag:s23] =	ssyncset.done $0x0  }
0xa5: {  	s25 =	simm.s32 $0x1B8E;
	s24 =	sld [smem:$0x3FFE];
	[sflag:s23] =	ssyncadd.s32 $0xFFFFFFFF  }
0xa6: {  	s26 =	simm.s32 $execute0_lowered;
	[smem:$0x3FD2] =	sst s25  }
0xa7: {  	s6 =	sshll.u32 s26, $0x1;
	_ =	strace $0x80000046;
	[dreg:$0x1] =	wrdreg $0xFFFFFFFF  }
0xa8: {  	s28 =	simm.s32 $_size_execute0_lowered;
	s4 =	sadd.s32 s4, s6;
	[dreg:$0x0] =	wrdreg $0x0  }
0xa9: {  	s6 =	sshll.u32 s28, $0x1;
	[dreg:$0x2] =	wrdreg s4  }
0xaa: {  	[dreg:$0x3] =	wrdreg s6  }
0xab: {  	[dreg:$0x4] =	wrdreg $0xC0  }
0xac: {  	_ =	task [dreg:s8], $0x5FFFF  }
0xad: {  	[dreg:$0x1] =	wrdreg $0xFFFFFFFF  }
0xae: {  	[dreg:$0x0] =	wrdreg $0x60  }
0xaf: {  	[dreg:$0x2] =	wrdreg s2  }
0xb0: {  	[dreg:$0x3] =	wrdreg s18  }
0xb1: {  	[dreg:$0x4] =	wrdreg s24  }
0xb2: {  	[dreg:$0x5] =	wrdreg $0x9  }
0xb3: {  	_ =	task.clear_ibuf [dreg:s8], $0x6FFFF;
	_ =	strace $0x90000046  }
0xb4: {  	s29 =	simm.s32 $0x9;
	_ =	strace $0x80000048  }
0xb5: {  	_ =	swait.ge [sflag:s29], $0x1  }
0xb6: {  	[sflag:s29] =	ssyncadd.s32 $0xFFFFFFFF  }
0xb7: {  	_ =	strace $0x90000048  }
0xb8: {  	_ =	sfence  }
0xb9: {  	s30 =	sld [smem:$0x0];
	_ =	sdelay $0x2  }
0xba: {  	s31 =	sshll.u32 s1, $0xD;
	s1 =	sshrl.u32 s1, $0x2  }
0xbb: {  	s3 =	sand.u32 $0x4000, s31;
	s1 =	sadd.s32 s1, s30  }
0xbc: {  	s0 =	sor.u32 s3, s0;
	s1 =	sshll.u32 s1, $0x11  }
0xbd: {  	s0 =	sor.u32 s1, s0  }
0xbe: {  	s0 =	sadd.s32 $0x8F2B, s0  }
0xbf: {  	[sflag:s0] =	ssyncadd.remote.s32 $0x1  }
0xc0: {  	_ =	sfence.sel $0xFFFF  }
0xc1: {  	[dreg:$0x0] =	wrdreg $0xFFFFFFFF;
	(pc) =	sbr.abs _section_cstart, $3  }
0xc2: {  	[dreg:$0x1] =	wrdreg $0xFFFFFFFF  }
0xc3: {  	_ =	task.clear_ibuf [dreg:s8], $0x2FFFF;
	_ =	strace $0x9FFFFFFF  }
0xc4: {  	(tm) =	ssettm $0x7FFFFFFF  }
0xc5: {  	_ =	shalt  }
tec
execute0_lowered:
.L_overlay_start_1:
0x0: {  	(tag) =	ssettag $0x1  }
0x1: {  	s3 =	rddreg [dreg:$0x0]  }
0x2: {  	s4 =	rddreg [dreg:$0x1]  }
0x3: {  	s5 =	rddreg [dreg:$0x2];
	s1 =	srdreg.scid  }
0x4: {  	s0 =	rddreg [dreg:$0x3];
	s2 =	simm.s32 $0x0;
	s10 =	simm.s32 $0x6400  }
0x5: {  	s11 =	simm.s32 $0x1;
	s12 =	simm.s32 $0x2;
	s13 =	simm.s32 $0x7080  }
0x6: {  	s14 =	simm.s32 $0x3;
	s15 =	simm.s32 $0x0;
	s6 =	sand.u32 $0x1, s1  }
0x7: {  	s1 =	stileid.u32;
	[smem:$0x7FF] =	sst s2;
	s7 =	sshll.u32 s6, $0x4  }
0x8: {  	_ =	strace $0x80000047;
	s6 =	ssub.s32 $0x2, s6;
	s7 =	sor.u32 s1, s7  }
0x9: {  	s29 =	sshrl.u32 s6, $0x1;
	s8 =	smul.u32 $0x19, s7;
	s9 =	sshll.u32 s7, $0x7  }
0xa: {  	p0 =	seq.s32 s7, $0x1F;
	s7 =	ssub.s32 s6, s29;
	s5 =	sadd.s32 s9, s5  }
0xb: {  	s9 =	simm.s32 $0x98;
	s7 =	smax.u32 s7, $0x1;
	s8 =	simm.s32 @p0 $0x2F4  }
0xc: {  	s9 =	simm.s32 @!p0 $0x0;
	s5 =	sadd.s32 $0xA00, s5;
	s30 =	sshll.u32 s8, $0x7  }
0xd: {  	s31 =	sshll.u32 s8, $0x4;
	s6 =	sshll.u32 s9, $0x4;
	s8 =	sshll.u32 s9, $0x7  }
0xe: {  	v0 =	vimm.f32 $0.0e+00;
	s3 =	sadd.s32 s3, s30;
	s4 =	sadd.s32 s4, s31;
	s9 =	sor.u32 $0x6400, s6  }
.LBB2_1:
0xf: {  	[tilespmem:s2], [sflag:$0x1] =	stream.linear.gather [hbm4b:s3+s2], $0x6400, $0x38;
	[tilespmem:$0x7480] =	vst v63  }
0x10: {  	_ = 	snop  }
0x11: {  	[tilespmem:s10], [sflag:$0x2] =	stream.linear.gather [hbm4b:s4+s2], $0xC80, $0x38;
	[tilespmem:$0x7480] =	vst v63  }
0x12: {  	p2 =	sne.s32 s6, $0xC70;
	_ =	swait.ge [sflag:s11], $0x6400  }
.Ltmp0:
0x13: {  	[sflag:s11] =	ssyncset.done $0x0;
	(pc) =	sbr.rel @!p2 .LBB2_2-.Ltmp0, $4  }
0x14: {  	[sflag:s11] =	ssyncadd.s32 $0xFFFF9C00  }
0x15: {  	s16 =	sand.u32 $0x70, s6;
	s17 =	sand.u32 $0x7C00, s8;
	_ =	swait.ge [sflag:s12], $0xC80  }
0x16: {  	s18 =	sadd.s32 $0x10, s6;
	p0 =	por $0x0, $0x0;
	[sflag:s12] =	ssyncset.done $0x0  }
0x17: {  	p1 =	por $0x0, $0x0;
	s16 =	sor.u32 s16, s17;
	[sflag:s12] =	ssyncadd.s32 $0xFFFFF380  }
0x18: {  	v13 =	vld [tilespmem:s16+$0x0]  }
0x19: {  	v16 =	vld [tilespmem:s16+$0x80]  }
0x1a: {  	v18 =	vld [tilespmem:s16+$0x100];
	p2 =	sne.s32 s18, $0xC70  }
.Ltmp1:
0x1b: {  	_ = 	snop;
	(pc) =	sbr.rel @!p2 .LBB2_4-.Ltmp1, $4  }
0x1c: {  	_ = 	snop  }
0x1d: {  	v14 =	vld [tilespmem:s16+$0x180];
	s17 =	sadd.s32 $0x80, s8  }
0x1e: {  	v2 =	vld [tilespmem:s16+$0x200];
	s31 =	sand.u32 $0x70, s18;
	s19 =	sand.u32 $0x7C00, s17;
	v1 =	vmax.f32 v13, v16  }
0x1f: {  	v3 =	vld [tilespmem:s9+$0x0];
	p0 =	por $0x1, $0x1;
	s16 =	sor.u32 s31, s19;
	s19 =	sadd.s32 $0x10, s18;
	v11 =	vmax.f32 v1, v18  }
0x20: {  	_ =	sdelay $0x1  }
0x21: {  	v1 =	vmax.f32 v11, v14  }
0x22: {  	v4 =	vmax.f32 v1, v2  }
0x23: {  	vm0 =	veq.f32 v2, v4  }
0x24: {  	v6 =	vld [tilespmem:s16+$0x0];
	vm12 =	veq.f32 v14, v4;
	v1 =	vsel vm0, $0x40800000, v0  }
0x25: {  	v10 =	vld [tilespmem:s16+$0x80];
	vm13 =	veq.f32 v18, v4;
	v1 =	vsel vm12, $0x40400000, v1  }
0x26: {  	v15 =	vld [tilespmem:s16+$0x100];
	p2 =	sne.s32 s19, $0xC70;
	vm14 =	veq.f32 v16, v4;
	v2 =	vsel vm13, $0x40000000, v1  }
.Ltmp2:
0x27: {  	vm15 =	veq.f32 v13, v4;
	v13 =	vld [tilespmem:s16+$0x180];
	v2 =	vsel vm14, $0x3F800000, v2;
	(pc) =	sbr.rel @!p2 .LBB2_6-.Ltmp2, $4  }
0x28: {  	v12 =	vsel vm15, $0x0, v2;
	v2 =	vld [tilespmem:s16+$0x200]  }
0x29: {  	s18 =	sadd.s32 $0x80, s17;
	v5 =	vimm.f32 $0.0e+00;
	v8 =	vimm.f32 $0.0e+00;
	v1 =	vcvt.s32.f32 v3  }
0x2a: {  	s31 =	sand.u32 $0x70, s19;
	s17 =	sadd.s32 $0x10, s9;
	v9 =	vimm.f32 $0.0e+00;
	v7 =	vimm.f32 $0.0e+00;
	s20 =	sand.u32 $0x7C00, s18;
	v3 =	vmax.f32 v6, v10  }
0x2b: {  	s19 =	sadd.s32 $0x10, s19;
	p1 =	por $0x1, $0x1;
	v4 =	vimm.f32 $0.0e+00;
	v11 =	vmax.f32 v3, v15;
	v3 =	vld [tilespmem:s17+$0x0];
	v17 =	vmul.f32 v1, v1;
	s16 =	sor.u32 s31, s20  }
.LBB2_7:
0x2c: {  	p2 =	sne.s32 s19, $0xC70;
	v14 =	vld [tilespmem:s16+$0x0];
	v11 =	vmax.f32 v11, v13;
	v16 =	vmul.f32 v12, v12;
	v18 =	vmul.f32 v1, v12  }
0x2d: {  	v4 =	vadd.f32 v12, v4;
	v19 =	vld [tilespmem:s16+$0x80];
	v11 =	vmax.f32 v11, v2;
	v5 =	vadd.f32 v17, v5  }
0x2e: {  	v20 =	vld [tilespmem:s16+$0x100];
	vm0 =	veq.f32 v2, v11;
	v8 =	vadd.f32 v16, v8;
	v9 =	vadd.f32 v18, v9  }
.Ltmp3:
0x2f: {  	v7 =	vadd.f32 v1, v7;
	v12 =	vsel vm0, $0x40800000, v0;
	vm0 =	veq.f32 v13, v11;
	v13 =	vld [tilespmem:s16+$0x180];
	(pc) =	sbr.rel @p2 .LBB2_7-.Ltmp3, $4  }
0x30: {  	v2 =	vld [tilespmem:s16+$0x200];
	v1 =	vsel vm0, $0x40400000, v12;
	vm0 =	veq.f32 v15, v11  }
0x31: {  	s18 =	sadd.s32 $0x80, s18;
	v12 =	vsel vm0, $0x40000000, v1;
	vm0 =	veq.f32 v10, v11;
	v1 =	vcvt.s32.f32 v3  }
0x32: {  	s17 =	sadd.s32 $0x10, s17;
	s20 =	sand.u32 $0x7C00, s18;
	s16 =	sand.u32 $0x70, s19;
	v3 =	vmax.f32 v14, v19;
	v12 =	vsel vm0, $0x3F800000, v12;
	vm0 =	veq.f32 v6, v11;
	v6 =	vmovc v14;
	v10 =	vmovc v19  }
0x33: {  	s19 =	sadd.s32 $0x10, s19;
	s16 =	sor.u32 s16, s20;
	v11 =	vmax.f32 v3, v20;
	v3 =	vld [tilespmem:s17+$0x0];
	v12 =	vsel vm0, $0x0, v12;
	v17 =	vmul.f32 v1, v1;
	v15 =	vmovc v20  }
0x34: {  	v14 =	vmovc v13;
	v18 =	vmov v15;
	v16 =	vmov v10;
	v13 =	vmov v6  }
.LBB2_9:
0x35: {  	v6 =	vmax.f32 @p0 v11, v14  }
0x36: {  	v11 =	vmul.f32 @p1 v12, v12;
	v15 =	vmul.f32 @p1 v1, v12;
	v4 =	vadd.f32 @p1 v12, v4  }
0x37: {  	v10 =	vld [tilespmem:s16+$0x0];
	v5 =	vadd.f32 @p1 v17, v5;
	v1 =	vadd.f32 @p1 v1, v7;
	v6 =	vmax.f32 @p0 v6, v2  }
0x38: {  	v19 =	vld [tilespmem:s16+$0x80];
	vm0 =	veq.f32 @p0 v2, v6;
	v8 =	vadd.f32 @p1 v11, v8;
	v9 =	vadd.f32 @p1 v15, v9  }
0x39: {  	v57 =	vld [tilespmem:s16+$0x180];
	v4 =	vpsel p1, v4, v0;
	v5 =	vpsel p1, v5, v0;
	v1 =	vpsel p1, v1, v0  }
0x3a: {  	v2 =	vld [tilespmem:s16+$0x100];
	v11 =	vsel @p0 vm0, $0x40800000, v0;
	vm0 =	veq.f32 @p0 v14, v6;
	v3 =	vcvt.s32.f32 @p0 v3  }
0x3b: {  	v58 =	vld [tilespmem:s16+$0x200];
	s16 =	sadd.s32 @p0 $0x10, s17;
	s17 =	smov.u32 s9;
	v11 =	vsel @p0 vm0, $0x40400000, v11;
	vm0 =	veq.f32 @p0 v18, v6;
	v8 =	vpsel p1, v8, v0  }
0x3c: {  	s17 =	smov.u32 @p0 s16;
	v9 =	vpsel p1, v9, v0;
	v11 =	vsel @p0 vm0, $0x40000000, v11;
	vm0 =	veq.f32 @p0 v16, v6  }
0x3d: {  	v60 =	vld [tilespmem:s17+$0x0];
	v59 =	vmax.f32 v10, v19;
	v11 =	vsel @p0 vm0, $0x3F800000, v11;
	vm0 =	veq.f32 @p0 v13, v6  }
0x3e: {  	v13 =	vmul.f32 @p0 v3, v3;
	v3 =	vpsel p0, v3, v0;
	v11 =	vsel @p0 vm0, $0x0, v11  }
0x3f: {  	v6 =	vmax.f32 v59, v2;
	v1 =	vadd.f32 @p0 v3, v1;
	v11 =	vpsel p0, v11, v0  }
0x40: {  	v13 =	vpsel p0, v13, v0;
	v6 =	vmax.f32 v6, v57;
	v15 =	vmul.f32 @p0 v11, v11  }
0x41: {  	v6 =	vmax.f32 v6, v58;
	v16 =	vmul.f32 @p0 v3, v11;
	v4 =	vadd.f32 @p0 v11, v4  }
0x42: {  	v5 =	vadd.f32 @p0 v13, v5;
	v3 =	vcvt.s32.f32 v60;
	vm11 =	veq.f32 v58, v6  }
0x43: {  	v1 =	vpsel p0, v1, v0;
	vm12 =	veq.f32 v57, v6;
	v7 =	vsel vm11, $0x40800000, v0  }
0x44: {  	vm13 =	veq.f32 v2, v6;
	vm14 =	veq.f32 v19, v6;
	v7 =	vsel vm12, $0x40400000, v7  }
0x45: {  	vm15 =	veq.f32 v10, v6;
	v8 =	vadd.f32 @p0 v15, v8;
	v2 =	vsel vm13, $0x40000000, v7  }
0x46: {  	v6 =	vadd.f32 @p0 v16, v9;
	v61 =	vmul.f32 v3, v3;
	v2 =	vsel vm14, $0x3F800000, v2  }
0x47: {  	v4 =	vpsel p0, v4, v0;
	v1 =	vadd.f32 v3, v1;
	v2 =	vsel vm15, $0x0, v2  }
0x48: {  	v5 =	vpsel p0, v5, v0;
	v62 =	vmul.f32 v2, v2;
	v4 =	vadd.f32 v2, v4  }
0x49: {  	v8 =	vpsel p0, v8, v0;
	[tilespmem:$0x7080] =	vst v1;
	v2 =	vmul.f32 v3, v2;
	v3 =	vadd.f32 v61, v5  }
0x4a: {  	v1 =	vpsel p0, v6, v0;
	v63 =	vadd.f32 v62, v8;
	[tilespmem:$0x7100] =	vst v4  }
0x4b: {  	v1 =	vadd.f32 v2, v1;
	[tilespmem:$0x7180] =	vst v3  }
0x4c: {  	s15 =	sadd.s32 $0x1, s15;
	[tilespmem:$0x7200] =	vst v63  }
0x4d: {  	p0 =	sne.s32 s15, s7;
	[tilespmem:$0x7280] =	vst v1  }
0x4e: {  	[hbm4b:s5+s2] =	stream.linear.scatter [tilespmem:s13], [sflag:$0x3], $0x280, $0x38;
	[tilespmem:$0x7480] =	vst v63  }
.Ltmp4:
0x4f: {  	_ = 	snop;
	(pc) =	sbr.rel @p0 .LBB2_1-.Ltmp4, $4  }
.Ltmp5:
0x50: {  	_ = 	snop;
	(pc) =	sbr.rel @!p0 .LBB2_10-.Ltmp5, $4  }
0x51: {  	_ =	swait.ge [sflag:s14], $0x280  }
0x52: {  	[sflag:s14] =	ssyncset.done $0x0  }
0x53: {  	[sflag:s14] =	ssyncadd.s32 $0xFFFFFD80  }
0x54: {  	_ = 	snop  }
.LBB2_2:
.Ltmp6:
0x55: {  	(pc) =	sbr.rel .LBB2_9-.Ltmp6, $3  }
0x56: {  	_ =	sdelay $0x1  }
0x57: {  	v4 =	vimm.f32 $0.0e+00;
	v5 =	vimm.f32 $0.0e+00  }
0x58: {  	v8 =	vimm.f32 $0.0e+00;
	v9 =	vimm.f32 $0.0e+00;
	v7 =	vimm.f32 $0.0e+00;
	s17 =	smov.u32 s9  }
.LBB2_4:
.Ltmp7:
0x59: {  	(pc) =	sbr.rel .LBB2_9-.Ltmp7, $3  }
0x5a: {  	_ =	sdelay $0x1  }
0x5b: {  	v4 =	vimm.f32 $0.0e+00;
	v5 =	vimm.f32 $0.0e+00  }
0x5c: {  	v8 =	vimm.f32 $0.0e+00;
	v9 =	vimm.f32 $0.0e+00;
	v7 =	vimm.f32 $0.0e+00;
	s17 =	smov.u32 s9  }
.LBB2_6:
.Ltmp8:
0x5d: {  	(pc) =	sbr.rel .LBB2_9-.Ltmp8, $3  }
0x5e: {  	_ =	sdelay $0x1  }
0x5f: {  	v4 =	vimm.f32 $0.0e+00;
	v5 =	vimm.f32 $0.0e+00;
	v14 =	vmovc v13;
	v8 =	vimm.f32 $0.0e+00  }
0x60: {  	v9 =	vimm.f32 $0.0e+00;
	v7 =	vimm.f32 $0.0e+00;
	v18 =	vmovc v15;
	v16 =	vmovc v10;
	v13 =	vmov v6  }
.LBB2_10:
0x61: {  	_ =	sfence.sel $0x180000  }
0x62: {  	[bflag:$0x0] =	sbarrier.arrive $0xFFFF  }
0x63: {  	p0 =	sne.s32 s1, $0x0;
	_ =	strace $0x90000047  }
0x64: {  	s0 =	sadd.s32 @!p0 $0x100000, s0;
	[bflag:$0x2] =	sbarrier.arrive $0xFFFF  }
0x65: {  	[sflag:s0] =	ssyncadd.tile.s32 @!p0 $0x1;
	_ =	shalt  }
.Lfunc_end2:
_tile_overlayer_lowered:
.L_overlay_start_2:
0x66: {  	(tag) =	ssettag $0x2  }
0x67: {  	s0 =	rddreg [dreg:$0x0];
	s2 =	stileid.u32  }
0x68: {  	s1 =	rddreg [dreg:$0x1];
	p0 =	sne.s32 s2, $0x0  }
0x69: {  	s3 =	rddreg [dreg:$0x2];
	[bflag:$0x3] =	sbarrier.arrive $0xFFFF;
	s2 =	simm.s32 @!p0 $0x1C03  }
0x6a: {  	[timem:s3], [sflag:s2] =	dma.local @!p0 [hbm:s0], s1  }
0x6b: {  	s0 =	simm.s32 @!p0 $0x3  }
0x6c: {  	_ =	swait.ge @!p0 [sflag:s0], s1  }
0x6d: {  	s1 =	ssub.s32 @!p0 $0x0, s1;
	[sflag:s0] =	ssyncset.done @!p0 $0x0  }
0x6e: {  	[sflag:s0] =	ssyncadd.s32 @!p0 s1  }
0x6f: {  	[bflag:$0x3] =	sbarrier.arrive $0xFFFF  }
0x70: {  	_ =	shalt  }

</sc_bundles>
